<compile_context>
chip_gen: v7x
topology: tpu7x:2x2x1
jax: 0.10.2.dev20260603
libtpu: 0.0.44.dev20260713+nightly
codegen_flags: <defaults>
</compile_context>

<pallas_src>
import functools

import jax
import jax.numpy as jnp
from jax import lax
from jax.experimental import pallas as pl
from jax.experimental.pallas import tpu as pltpu
from jax.experimental.pallas import tpu_sc as plsc


def _xmom_body(x_ref, s_ref):
    i = pl.program_id(0)
    x = x_ref[...]
    ones = jnp.ones((x.shape[0], 1), x.dtype)
    xa = jnp.concatenate([x, ones], axis=1)
    s = lax.dot_general(xa, xa, (((0,), (0,)), ((), ())),
                        preferred_element_type=jnp.float32)

    @pl.when(i == 0)
    def _():
        s_ref[...] = jnp.zeros_like(s_ref)

    s_ref[...] += s


def _xmom(x, row_block):
    m, d = x.shape
    grid = (m // row_block,)
    return pl.pallas_call(
        _xmom_body,
        grid=grid,
        in_specs=[pl.BlockSpec((row_block, d), lambda i: (i, 0))],
        out_specs=pl.BlockSpec((d + 1, d + 1), lambda i: (0, 0)),
        out_shape=jax.ShapeDtypeStruct((d + 1, d + 1), jnp.float32),
    )(x)


def _make_sc_gather(rows_total, cin, chunk):
    info = plsc.get_sparse_core_info()
    nw = info.num_cores * info.num_subcores
    per_w = rows_total // nw
    n_chunks = per_w // chunk
    mesh = plsc.VectorSubcoreMesh(core_axis_name="c", subcore_axis_name="s")

    @functools.partial(
        pl.kernel,
        mesh=mesh,
        compiler_params=pltpu.CompilerParams(use_tc_tiling_on_sc=False),
        out_type=jax.ShapeDtypeStruct((rows_total, cin), jnp.float32),
        scratch_types=[
            pltpu.VMEM((chunk,), jnp.int32),
            pltpu.VMEM((chunk,), jnp.int32),
            pltpu.VMEM((chunk, cin), jnp.float32),
            pltpu.VMEM((chunk, cin), jnp.float32),
            pltpu.SemaphoreType.DMA,
            pltpu.SemaphoreType.DMA,
            pltpu.SemaphoreType.DMA,
            pltpu.SemaphoreType.DMA,
        ],
    )
    def gather_k(table_hbm, idx_hbm, out_hbm, idx0, idx1, rows0, rows1,
                 gsem0, gsem1, ssem0, ssem1):
        wid = lax.axis_index("s") * info.num_cores + lax.axis_index("c")
        base = wid * per_w
        idx_b = (idx0, idx1)
        rows_b = (rows0, rows1)
        gsem_b = (gsem0, gsem1)
        ssem_b = (ssem0, ssem1)

        def fire(c, s):
            pltpu.sync_copy(idx_hbm.at[pl.ds(base + c * chunk, chunk)],
                            idx_b[s])
            pltpu.async_copy(table_hbm.at[idx_b[s]], rows_b[s], gsem_b[s])

        fire(0, 0)
        fire(1, 1)

        def body(g0, carry):
            for s in (0, 1):
                c = 2 * g0 + s
                dst = out_hbm.at[pl.ds(base + c * chunk, chunk)]
                pltpu.make_async_copy(dst, rows_b[s], gsem_b[s]).wait()
                pltpu.async_copy(rows_b[s], dst, ssem_b[s])
                pltpu.make_async_copy(rows_b[s], dst, ssem_b[s]).wait()

                @pl.when(c + 2 < n_chunks)
                def _():
                    fire(c + 2, s)

            return carry

        lax.fori_loop(0, n_chunks // 2, body, 0)

    return gather_k


def _main_body(pb, k, fg_ref, x_ref, ft_ref, w1_ref, c1_ref, wa_ref,
               fp_ref, sfp_ref, sft_ref):
    step = pl.program_id(0)
    cin = fg_ref.shape[1]
    rel = jnp.dot(x_ref[...], w1_ref[...],
                  preferred_element_type=jnp.float32)
    rel = rel + c1_ref[...]
    rel = jnp.maximum(rel, 0.2 * rel)
    fg = fg_ref[...]
    wa = wa_ref[...]
    logits = jnp.dot(fg, wa[:cin, :],
                     preferred_element_type=jnp.float32)
    logits = logits + jnp.dot(rel, wa[cin:, :],
                              preferred_element_type=jnp.float32)
    def ksum(m):
        m3 = m.reshape(pb, k, m.shape[1])
        kk = k
        while kk > 1:
            kk //= 2
            m3 = m3[:, :kk, :] + m3[:, kk:, :]
        return m3[:, 0, :]

    e = jnp.exp(logits)
    se = ksum(e)
    nfg = ksum(e[:, :cin] * fg)
    nrel = ksum(e[:, cin:] * rel)
    fp = jnp.concatenate([nfg, nrel], axis=1) / se
    fp_ref[...] = fp

    ones = jnp.ones((pb, 1), jnp.float32)
    fpa = jnp.concatenate([fp, ones], axis=1)
    sfp = lax.dot_general(fpa, fpa, (((0,), (0,)), ((), ())),
                          preferred_element_type=jnp.float32)
    fta = jnp.concatenate([ft_ref[...], ones], axis=1)
    sft = lax.dot_general(fta, fta, (((0,), (0,)), ((), ())),
                          preferred_element_type=jnp.float32)

    @pl.when(step == 0)
    def _():
        sfp_ref[...] = jnp.zeros_like(sfp_ref)
        sft_ref[...] = jnp.zeros_like(sft_ref)

    sfp_ref[...] += sfp
    sft_ref[...] += sft


def _main(fg, x, feat2d, w1e, c1, wattn, pb):
    bn, cin = feat2d.shape
    k = fg.shape[0] // bn
    c = cin + w1e.shape[1]
    grid = (bn // pb,)
    return pl.pallas_call(
        functools.partial(_main_body, pb, k),
        grid=grid,
        in_specs=[
            pl.BlockSpec((pb * k, cin), lambda i: (i, 0)),
            pl.BlockSpec((pb * k, x.shape[1]), lambda i: (i, 0)),
            pl.BlockSpec((pb, cin), lambda i: (i, 0)),
            pl.BlockSpec(w1e.shape, lambda i: (0, 0)),
            pl.BlockSpec((1, c - cin), lambda i: (0, 0)),
            pl.BlockSpec(wattn.shape, lambda i: (0, 0)),
        ],
        out_specs=[
            pl.BlockSpec((pb, c), lambda i: (i, 0)),
            pl.BlockSpec((c + 1, c + 1), lambda i: (0, 0)),
            pl.BlockSpec((cin + 1, cin + 1), lambda i: (0, 0)),
        ],
        out_shape=[
            jax.ShapeDtypeStruct((bn, c), jnp.float32),
            jax.ShapeDtypeStruct((c + 1, c + 1), jnp.float32),
            jax.ShapeDtypeStruct((cin + 1, cin + 1), jnp.float32),
        ],
    )(fg, x, feat2d, w1e, c1[None, :], wattn)


def _finish_body(ft_ref, fp_ref, wsc_ref, wo_ref, cc_ref, o_ref):
    y = jnp.dot(ft_ref[...], wsc_ref[...],
                preferred_element_type=jnp.float32)
    y = y + jnp.dot(fp_ref[...], wo_ref[...],
                    preferred_element_type=jnp.float32)
    y = y + cc_ref[...]
    o_ref[...] = jnp.maximum(y, 0.2 * y)


def _finish(feat2d, fp, wsce, woe, cc, fb):
    bn, cin = feat2d.shape
    c = fp.shape[1]
    cout = wsce.shape[1]
    grid = (bn // fb,)
    return pl.pallas_call(
        _finish_body,
        grid=grid,
        in_specs=[
            pl.BlockSpec((fb, cin), lambda i: (i, 0)),
            pl.BlockSpec((fb, c), lambda i: (i, 0)),
            pl.BlockSpec(wsce.shape, lambda i: (0, 0)),
            pl.BlockSpec(woe.shape, lambda i: (0, 0)),
            pl.BlockSpec(cc.shape, lambda i: (0, 0)),
        ],
        out_specs=pl.BlockSpec((fb, cout), lambda i: (i, 0)),
        out_shape=jax.ShapeDtypeStruct((bn, cout), jnp.float32),
    )(feat2d, fp, wsce, woe, cc)


def _fold_bn(saug, w, b, g, be, eps=1e-5):
    d = w.shape[0]
    m = saug[d, d]
    mean_x = saug[d, :d] / m
    cov = saug[:d, :d] / m - jnp.outer(mean_x, mean_x)
    mean_y = mean_x @ w + b
    var_y = jnp.sum(w * (cov @ w), axis=0)
    a = g / jnp.sqrt(var_y + eps)
    return w * a[None, :], (b - mean_y) * a + be


_sc_gather = None


def _get_sc_gather(rows_total, cin):
    global _sc_gather
    if _sc_gather is None:
        _sc_gather = _make_sc_gather(rows_total, cin, chunk=1024)
    return _sc_gather


def kernel(xyz, feature, ori_relative_feature, neighbors_idx, W1, b1, g1,
           be1, W_attn, W_out, b_out, g_out, be_out, W_sc, b_sc, g_sc,
           be_sc):
    b, n, k = neighbors_idx.shape
    cin = feature.shape[-1]
    drel = ori_relative_feature.shape[-1]

    x = ori_relative_feature.reshape(b * n * k, drel)
    saug = _xmom(x, row_block=8192)
    w1e, c1 = _fold_bn(saug, W1, b1, g1, be1)

    table = feature.reshape(b * n, cin)
    flat_idx = (neighbors_idx
                + (jnp.arange(b, dtype=jnp.int32) * n)[:, None, None])
    flat_idx = flat_idx.reshape(b * n * k)
    fg = _get_sc_gather(b * n * k, cin)(table, flat_idx)

    fp, sfp, sft = _main(fg, x, table, w1e, c1, W_attn, pb=512)

    wsce, csc = _fold_bn(sft, W_sc, b_sc, g_sc, be_sc)
    woe, co = _fold_bn(sfp, W_out, b_out, g_out, be_out)
    cc = (csc + co)[None, :]
    out = _finish(table, fp, wsce, woe, cc, fb=4096).reshape(b, n, -1)

    return (xyz, out, ori_relative_feature, neighbors_idx)

# --- scband reference (transcript-rebuilt; emitter-appended) ---
"""Pipeline reference for scband-local-feature-aggregation-30116310680159 (READ-ONLY COPY).

The authoritative reference and input builder live on the scoring server;
editing this copy changes nothing except your own understanding.
"""

import jax, jax.numpy as jnp
import numpy as np

B, N, K = 4, 16384, 16
CIN, CREL, COUT = 32, 32, 64


def _mlp_bn(x, W, b, gamma, beta, act):
    y = x @ W + b
    axes = tuple(range(y.ndim - 1))
    m = y.mean(axis=axes, keepdims=True)
    v = y.var(axis=axes, keepdims=True)
    y = (y - m) / jnp.sqrt(v + 1e-5) * gamma + beta
    if act:
        y = jnp.where(y >= 0, y, 0.2 * y)
    return y


def setup_inputs(seed: int = 0):
    key = jax.random.key(seed)
    ks = jax.random.split(key, 12)
    d = {}
    d["xyz"] = jax.random.normal(ks[0], (B, N, 3), dtype=jnp.float32)
    d["feature"] = jax.random.normal(ks[1], (B, N, CIN), dtype=jnp.float32)
    d["ori_relative_feature"] = jax.random.normal(ks[2], (B, N, K, 10), dtype=jnp.float32)
    d["neighbors_idx"] = jax.random.randint(ks[3], (B, N, K), 0, N, dtype=jnp.int32)
    d["W1"] = jax.random.normal(ks[4], (10, CREL), dtype=jnp.float32) * 0.1
    d["b1"] = jnp.zeros((CREL,), dtype=jnp.float32)
    d["g1"] = jnp.ones((CREL,), dtype=jnp.float32)
    d["be1"] = jnp.zeros((CREL,), dtype=jnp.float32)
    d["W_attn"] = jax.random.normal(ks[5], (CIN + CREL, CIN + CREL), dtype=jnp.float32) * 0.1
    d["W_out"] = jax.random.normal(ks[6], (CIN + CREL, COUT), dtype=jnp.float32) * 0.1
    d["b_out"] = jnp.zeros((COUT,), dtype=jnp.float32)
    d["g_out"] = jnp.ones((COUT,), dtype=jnp.float32)
    d["be_out"] = jnp.zeros((COUT,), dtype=jnp.float32)
    d["W_sc"] = jax.random.normal(ks[7], (CIN, COUT), dtype=jnp.float32) * 0.1
    d["b_sc"] = jnp.zeros((COUT,), dtype=jnp.float32)
    d["g_sc"] = jnp.ones((COUT,), dtype=jnp.float32)
    d["be_sc"] = jnp.zeros((COUT,), dtype=jnp.float32)
    return d


def reference(xyz, feature, ori_relative_feature, neighbors_idx, W1, b1, g1, be1, W_attn, W_out, b_out, g_out, be_out, W_sc, b_sc, g_sc, be_sc):
    b_idx = jnp.arange(B)[:, None, None]
    # index_points: gather neighbor features  (B, N, K, CIN)
    f_g = feature[b_idx, neighbors_idx]
    # mlp on relative geometric features
    rel = _mlp_bn(ori_relative_feature.reshape(B, -1, 10), W1, b1, g1, be1, True).reshape(B, N, K, CREL)
    f = jnp.concatenate([f_g, rel], axis=-1)
    # attentive pooling over neighbors
    attn = jax.nn.softmax(f @ W_attn, axis=2)
    f = jnp.sum(attn * f, axis=2)
    out = _mlp_bn(feature, W_sc, b_sc, g_sc, be_sc, False) + _mlp_bn(f, W_out, b_out, g_out, be_out, False)
    out = jnp.where(out >= 0, out, 0.2 * out)
    return (xyz, out, ori_relative_feature, neighbors_idx)

if __name__ == "__main__":
    import jax
    _d = setup_inputs()
    print(jax.jit(kernel)(*tuple(_d.values())))

</pallas_src>

<mosaic_0001>
#map = affine_map<(d0, d1) -> (0, 0)>
#map1 = affine_map<(d0, d1) -> (0)>
module attributes {stable_mosaic.version = 14 : i64} {
  func.func @gather_k(%arg0: i32, %arg1: i32, %arg2: memref<65536x32xf32, #tpu.memory_space<hbm>>, %arg3: memref<1048576xi32, #tpu.memory_space<hbm>>, %arg4: memref<1048576x32xf32, #tpu.memory_space<hbm>>, %arg5: memref<1024xi32, #tpu.memory_space<vmem>>, %arg6: memref<1024xi32, #tpu.memory_space<vmem>>, %arg7: memref<1024x32xf32, #tpu.memory_space<vmem>>, %arg8: memref<1024x32xf32, #tpu.memory_space<vmem>>, %arg9: memref<!tpu.dma_semaphore, #tpu.memory_space<semaphore_mem>>, %arg10: memref<!tpu.dma_semaphore, #tpu.memory_space<semaphore_mem>>, %arg11: memref<!tpu.dma_semaphore, #tpu.memory_space<semaphore_mem>>, %arg12: memref<!tpu.dma_semaphore, #tpu.memory_space<semaphore_mem>>) attributes {dimension_semantics = [#tpu.dimension_semantics<core_parallel>, #tpu.dimension_semantics<subcore_parallel>], iteration_bounds = array<i64: 2, 16>, scalar_prefetch = 0 : i64, scratch_operands = 8 : i64, tpu.core_type = #tpu.core_type<sc_vector_subcore>, window_params = [{transform_indices = #map}, {transform_indices = #map1}, {transform_indices = #map}]} {
    %mul3A = arith.constant 2 : i32
    %mul3A_0 = arith.muli %arg1, %mul3A : i32
    %add3A = arith.addi %mul3A_0, %arg0 : i32
    %mul3A_1 = arith.constant 32768 : i32
    %mul3A_2 = arith.muli %add3A, %mul3A_1 : i32
    %add3A_3 = arith.constant 0 : i32
    %add3A_4 = arith.addi %mul3A_2, %add3A_3 : i32
    "tpu.region"() ({
      %run_scoped3A = tpu.sem_alloc : memref<!tpu.dma_semaphore, #tpu.memory_space<semaphore_mem>>
      %dma_start3A_17 = tpu.memref_slice %arg3[%add3A_4] : memref<1048576xi32, #tpu.memory_space<hbm>> -> memref<1024xi32, #tpu.memory_space<hbm>>
      %dma_start3A_18 = tpu.memref_slice %arg3[%add3A_4] : memref<1048576xi32, #tpu.memory_space<hbm>> -> memref<1024xi32, #tpu.memory_space<hbm>>
      tpu.enqueue_dma source(%dma_start3A_18 : memref<1024xi32, #tpu.memory_space<hbm>>) target(%arg5 : memref<1024xi32, #tpu.memory_space<vmem>>) target_semaphore(%run_scoped3A : memref<!tpu.dma_semaphore, #tpu.memory_space<semaphore_mem>>)
      %dma_wait3A = tpu.memref_slice %arg3[%add3A_4] : memref<1048576xi32, #tpu.memory_space<hbm>> -> memref<1024xi32, #tpu.memory_space<hbm>>
      %dma_wait3A_19 = tpu.memref_slice %arg3[%add3A_4] : memref<1048576xi32, #tpu.memory_space<hbm>> -> memref<1024xi32, #tpu.memory_space<hbm>>
      tpu.wait_dma2 semaphore(%run_scoped3A : memref<!tpu.dma_semaphore, #tpu.memory_space<semaphore_mem>>) src(%dma_wait3A_19 : memref<1024xi32, #tpu.memory_space<hbm>>) dst(%arg5 : memref<1024xi32, #tpu.memory_space<vmem>>)
      tpu.yield
    }) : () -> ()
    %dma_start3A = arith.constant 0 : i32
    %dma_start3A_5 = arith.constant 0 : i32
    %dma_start3A_6 = tpu.memref_slice %arg2[%dma_start3A, %dma_start3A_5] : memref<65536x32xf32, #tpu.memory_space<hbm>> -> memref<65536x32xf32, #tpu.memory_space<hbm>>
    tpu.enqueue_indirect_dma source(%dma_start3A_6 : memref<65536x32xf32, #tpu.memory_space<hbm>>) target(%arg7 : memref<1024x32xf32, #tpu.memory_space<vmem>>) offsets(%arg5 : memref<1024xi32, #tpu.memory_space<vmem>>) semaphore(%arg9 : memref<!tpu.dma_semaphore, #tpu.memory_space<semaphore_mem>>)
    %add3A_7 = arith.constant 1024 : i32
    %add3A_8 = arith.addi %mul3A_2, %add3A_7 : i32
    "tpu.region"() ({
      %run_scoped3A = tpu.sem_alloc : memref<!tpu.dma_semaphore, #tpu.memory_space<semaphore_mem>>
      %dma_start3A_17 = tpu.memref_slice %arg3[%add3A_8] : memref<1048576xi32, #tpu.memory_space<hbm>> -> memref<1024xi32, #tpu.memory_space<hbm>>
      %dma_start3A_18 = tpu.memref_slice %arg3[%add3A_8] : memref<1048576xi32, #tpu.memory_space<hbm>> -> memref<1024xi32, #tpu.memory_space<hbm>>
      tpu.enqueue_dma source(%dma_start3A_18 : memref<1024xi32, #tpu.memory_space<hbm>>) target(%arg6 : memref<1024xi32, #tpu.memory_space<vmem>>) target_semaphore(%run_scoped3A : memref<!tpu.dma_semaphore, #tpu.memory_space<semaphore_mem>>)
      %dma_wait3A = tpu.memref_slice %arg3[%add3A_8] : memref<1048576xi32, #tpu.memory_space<hbm>> -> memref<1024xi32, #tpu.memory_space<hbm>>
      %dma_wait3A_19 = tpu.memref_slice %arg3[%add3A_8] : memref<1048576xi32, #tpu.memory_space<hbm>> -> memref<1024xi32, #tpu.memory_space<hbm>>
      tpu.wait_dma2 semaphore(%run_scoped3A : memref<!tpu.dma_semaphore, #tpu.memory_space<semaphore_mem>>) src(%dma_wait3A_19 : memref<1024xi32, #tpu.memory_space<hbm>>) dst(%arg6 : memref<1024xi32, #tpu.memory_space<vmem>>)
      tpu.yield
    }) : () -> ()
    %dma_start3A_9 = arith.constant 0 : i32
    %dma_start3A_10 = arith.constant 0 : i32
    %dma_start3A_11 = tpu.memref_slice %arg2[%dma_start3A_9, %dma_start3A_10] : memref<65536x32xf32, #tpu.memory_space<hbm>> -> memref<65536x32xf32, #tpu.memory_space<hbm>>
    tpu.enqueue_indirect_dma source(%dma_start3A_11 : memref<65536x32xf32, #tpu.memory_space<hbm>>) target(%arg8 : memref<1024x32xf32, #tpu.memory_space<vmem>>) offsets(%arg6 : memref<1024xi32, #tpu.memory_space<vmem>>) semaphore(%arg10 : memref<!tpu.dma_semaphore, #tpu.memory_space<semaphore_mem>>)
    %scan3A = arith.constant 0 : i32
    %scan3A_12 = arith.constant 0 : i32
    %scan3A_13 = arith.constant 16 : i32
    %scan3A_14 = arith.addi %scan3A_12, %scan3A_13 : i32
    %scan3A_15 = arith.constant 1 : i32
    scf.for %scan3A_17 = %scan3A_12 to %scan3A_14 step %scan3A_15  : i32 {
      %mul3A_18 = arith.constant 2 : i32
      %mul3A_19 = arith.muli %mul3A_18, %scan3A_17 : i32
      %add3A_20 = arith.constant 0 : i32
      %add3A_21 = arith.addi %mul3A_19, %add3A_20 : i32
      %mul3A_22 = arith.constant 1024 : i32
      %mul3A_23 = arith.muli %add3A_21, %mul3A_22 : i32
      %add3A_24 = arith.addi %mul3A_2, %mul3A_23 : i32
      %dma_wait3A = arith.constant 0 : i32
      %dma_wait3A_25 = tpu.memref_slice %arg4[%add3A_24, %dma_wait3A] : memref<1048576x32xf32, #tpu.memory_space<hbm>> -> memref<1024x32xf32, #tpu.memory_space<hbm>>
      %dma_wait3A_26 = arith.constant 0 : i32
      %dma_wait3A_27 = tpu.memref_slice %arg4[%add3A_24, %dma_wait3A_26] : memref<1048576x32xf32, #tpu.memory_space<hbm>> -> memref<1024x32xf32, #tpu.memory_space<hbm>>
      tpu.wait_dma2 semaphore(%arg9 : memref<!tpu.dma_semaphore, #tpu.memory_space<semaphore_mem>>) src(%dma_wait3A_27 : memref<1024x32xf32, #tpu.memory_space<hbm>>) dst(%arg7 : memref<1024x32xf32, #tpu.memory_space<vmem>>)
      %dma_start3A_28 = arith.constant 0 : i32
      %dma_start3A_29 = tpu.memref_slice %arg4[%add3A_24, %dma_start3A_28] : memref<1048576x32xf32, #tpu.memory_space<hbm>> -> memref<1024x32xf32, #tpu.memory_space<hbm>>
      %dma_start3A_30 = arith.constant 0 : i32
      %dma_start3A_31 = tpu.memref_slice %arg4[%add3A_24, %dma_start3A_30] : memref<1048576x32xf32, #tpu.memory_space<hbm>> -> memref<1024x32xf32, #tpu.memory_space<hbm>>
      tpu.enqueue_dma source(%arg7 : memref<1024x32xf32, #tpu.memory_space<vmem>>) target(%dma_start3A_31 : memref<1024x32xf32, #tpu.memory_space<hbm>>) target_semaphore(%arg11 : memref<!tpu.dma_semaphore, #tpu.memory_space<semaphore_mem>>)
      %dma_wait3A_32 = arith.constant 0 : i32
      %dma_wait3A_33 = tpu.memref_slice %arg4[%add3A_24, %dma_wait3A_32] : memref<1048576x32xf32, #tpu.memory_space<hbm>> -> memref<1024x32xf32, #tpu.memory_space<hbm>>
      %dma_wait3A_34 = arith.constant 0 : i32
      %dma_wait3A_35 = tpu.memref_slice %arg4[%add3A_24, %dma_wait3A_34] : memref<1048576x32xf32, #tpu.memory_space<hbm>> -> memref<1024x32xf32, #tpu.memory_space<hbm>>
      tpu.wait_dma2 semaphore(%arg11 : memref<!tpu.dma_semaphore, #tpu.memory_space<semaphore_mem>>) src(%arg7 : memref<1024x32xf32, #tpu.memory_space<vmem>>) dst(%dma_wait3A_35 : memref<1024x32xf32, #tpu.memory_space<hbm>>)
      %add3A_36 = arith.constant 2 : i32
      %add3A_37 = arith.addi %add3A_21, %add3A_36 : i32
      %lt3A = arith.constant 32 : i32
      %lt3A_38 = arith.cmpi slt, %add3A_37, %lt3A : i32
      %convert_element_type3A = arith.extui %lt3A_38 : i1 to i32
      %cond3A = arith.constant 0 : i32
      %cond3A_39 = arith.cmpi ne, %convert_element_type3A, %cond3A : i32
      scf.if %cond3A_39 {
        %add3A_66 = arith.constant 2 : i32
        %add3A_67 = arith.addi %add3A_21, %add3A_66 : i32
        %mul3A_68 = arith.constant 1024 : i32
        %mul3A_69 = arith.muli %add3A_67, %mul3A_68 : i32
        %add3A_70 = arith.addi %mul3A_2, %mul3A_69 : i32
        "tpu.region"() ({
          %run_scoped3A = tpu.sem_alloc : memref<!tpu.dma_semaphore, #tpu.memory_space<semaphore_mem>>
          %dma_start3A_74 = tpu.memref_slice %arg3[%add3A_70] : memref<1048576xi32, #tpu.memory_space<hbm>> -> memref<1024xi32, #tpu.memory_space<hbm>>
          %dma_start3A_75 = tpu.memref_slice %arg3[%add3A_70] : memref<1048576xi32, #tpu.memory_space<hbm>> -> memref<1024xi32, #tpu.memory_space<hbm>>
          tpu.enqueue_dma source(%dma_start3A_75 : memref<1024xi32, #tpu.memory_space<hbm>>) target(%arg5 : memref<1024xi32, #tpu.memory_space<vmem>>) target_semaphore(%run_scoped3A : memref<!tpu.dma_semaphore, #tpu.memory_space<semaphore_mem>>)
          %dma_wait3A_76 = tpu.memref_slice %arg3[%add3A_70] : memref<1048576xi32, #tpu.memory_space<hbm>> -> memref<1024xi32, #tpu.memory_space<hbm>>
          %dma_wait3A_77 = tpu.memref_slice %arg3[%add3A_70] : memref<1048576xi32, #tpu.memory_space<hbm>> -> memref<1024xi32, #tpu.memory_space<hbm>>
          tpu.wait_dma2 semaphore(%run_scoped3A : memref<!tpu.dma_semaphore, #tpu.memory_space<semaphore_mem>>) src(%dma_wait3A_77 : memref<1024xi32, #tpu.memory_space<hbm>>) dst(%arg5 : memref<1024xi32, #tpu.memory_space<vmem>>)
          tpu.yield
        }) : () -> ()
        %dma_start3A_71 = arith.constant 0 : i32
        %dma_start3A_72 = arith.constant 0 : i32
        %dma_start3A_73 = tpu.memref_slice %arg2[%dma_start3A_71, %dma_start3A_72] : memref<65536x32xf32, #tpu.memory_space<hbm>> -> memref<65536x32xf32, #tpu.memory_space<hbm>>
        tpu.enqueue_indirect_dma source(%dma_start3A_73 : memref<65536x32xf32, #tpu.memory_space<hbm>>) target(%arg7 : memref<1024x32xf32, #tpu.memory_space<vmem>>) offsets(%arg5 : memref<1024xi32, #tpu.memory_space<vmem>>) semaphore(%arg9 : memref<!tpu.dma_semaphore, #tpu.memory_space<semaphore_mem>>)
      } else {
      }
      %mul3A_40 = arith.constant 2 : i32
      %mul3A_41 = arith.muli %mul3A_40, %scan3A_17 : i32
      %add3A_42 = arith.constant 1 : i32
      %add3A_43 = arith.addi %mul3A_41, %add3A_42 : i32
      %mul3A_44 = arith.constant 1024 : i32
      %mul3A_45 = arith.muli %add3A_43, %mul3A_44 : i32
      %add3A_46 = arith.addi %mul3A_2, %mul3A_45 : i32
      %dma_wait3A_47 = arith.constant 0 : i32
      %dma_wait3A_48 = tpu.memref_slice %arg4[%add3A_46, %dma_wait3A_47] : memref<1048576x32xf32, #tpu.memory_space<hbm>> -> memref<1024x32xf32, #tpu.memory_space<hbm>>
      %dma_wait3A_49 = arith.constant 0 : i32
      %dma_wait3A_50 = tpu.memref_slice %arg4[%add3A_46, %dma_wait3A_49] : memref<1048576x32xf32, #tpu.memory_space<hbm>> -> memref<1024x32xf32, #tpu.memory_space<hbm>>
      tpu.wait_dma2 semaphore(%arg10 : memref<!tpu.dma_semaphore, #tpu.memory_space<semaphore_mem>>) src(%dma_wait3A_50 : memref<1024x32xf32, #tpu.memory_space<hbm>>) dst(%arg8 : memref<1024x32xf32, #tpu.memory_space<vmem>>)
      %dma_start3A_51 = arith.constant 0 : i32
      %dma_start3A_52 = tpu.memref_slice %arg4[%add3A_46, %dma_start3A_51] : memref<1048576x32xf32, #tpu.memory_space<hbm>> -> memref<1024x32xf32, #tpu.memory_space<hbm>>
      %dma_start3A_53 = arith.constant 0 : i32
      %dma_start3A_54 = tpu.memref_slice %arg4[%add3A_46, %dma_start3A_53] : memref<1048576x32xf32, #tpu.memory_space<hbm>> -> memref<1024x32xf32, #tpu.memory_space<hbm>>
      tpu.enqueue_dma source(%arg8 : memref<1024x32xf32, #tpu.memory_space<vmem>>) target(%dma_start3A_54 : memref<1024x32xf32, #tpu.memory_space<hbm>>) target_semaphore(%arg12 : memref<!tpu.dma_semaphore, #tpu.memory_space<semaphore_mem>>)
      %dma_wait3A_55 = arith.constant 0 : i32
      %dma_wait3A_56 = tpu.memref_slice %arg4[%add3A_46, %dma_wait3A_55] : memref<1048576x32xf32, #tpu.memory_space<hbm>> -> memref<1024x32xf32, #tpu.memory_space<hbm>>
      %dma_wait3A_57 = arith.constant 0 : i32
      %dma_wait3A_58 = tpu.memref_slice %arg4[%add3A_46, %dma_wait3A_57] : memref<1048576x32xf32, #tpu.memory_space<hbm>> -> memref<1024x32xf32, #tpu.memory_space<hbm>>
      tpu.wait_dma2 semaphore(%arg12 : memref<!tpu.dma_semaphore, #tpu.memory_space<semaphore_mem>>) src(%arg8 : memref<1024x32xf32, #tpu.memory_space<vmem>>) dst(%dma_wait3A_58 : memref<1024x32xf32, #tpu.memory_space<hbm>>)
      %add3A_59 = arith.constant 2 : i32
      %add3A_60 = arith.addi %add3A_43, %add3A_59 : i32
      %lt3A_61 = arith.constant 32 : i32
      %lt3A_62 = arith.cmpi slt, %add3A_60, %lt3A_61 : i32
      %convert_element_type3A_63 = arith.extui %lt3A_62 : i1 to i32
      %cond3A_64 = arith.constant 0 : i32
      %cond3A_65 = arith.cmpi ne, %convert_element_type3A_63, %cond3A_64 : i32
      scf.if %cond3A_65 {
        %add3A_66 = arith.constant 2 : i32
        %add3A_67 = arith.addi %add3A_43, %add3A_66 : i32
        %mul3A_68 = arith.constant 1024 : i32
        %mul3A_69 = arith.muli %add3A_67, %mul3A_68 : i32
        %add3A_70 = arith.addi %mul3A_2, %mul3A_69 : i32
        "tpu.region"() ({
          %run_scoped3A = tpu.sem_alloc : memref<!tpu.dma_semaphore, #tpu.memory_space<semaphore_mem>>
          %dma_start3A_74 = tpu.memref_slice %arg3[%add3A_70] : memref<1048576xi32, #tpu.memory_space<hbm>> -> memref<1024xi32, #tpu.memory_space<hbm>>
          %dma_start3A_75 = tpu.memref_slice %arg3[%add3A_70] : memref<1048576xi32, #tpu.memory_space<hbm>> -> memref<1024xi32, #tpu.memory_space<hbm>>
          tpu.enqueue_dma source(%dma_start3A_75 : memref<1024xi32, #tpu.memory_space<hbm>>) target(%arg6 : memref<1024xi32, #tpu.memory_space<vmem>>) target_semaphore(%run_scoped3A : memref<!tpu.dma_semaphore, #tpu.memory_space<semaphore_mem>>)
          %dma_wait3A_76 = tpu.memref_slice %arg3[%add3A_70] : memref<1048576xi32, #tpu.memory_space<hbm>> -> memref<1024xi32, #tpu.memory_space<hbm>>
          %dma_wait3A_77 = tpu.memref_slice %arg3[%add3A_70] : memref<1048576xi32, #tpu.memory_space<hbm>> -> memref<1024xi32, #tpu.memory_space<hbm>>
          tpu.wait_dma2 semaphore(%run_scoped3A : memref<!tpu.dma_semaphore, #tpu.memory_space<semaphore_mem>>) src(%dma_wait3A_77 : memref<1024xi32, #tpu.memory_space<hbm>>) dst(%arg6 : memref<1024xi32, #tpu.memory_space<vmem>>)
          tpu.yield
        }) : () -> ()
        %dma_start3A_71 = arith.constant 0 : i32
        %dma_start3A_72 = arith.constant 0 : i32
        %dma_start3A_73 = tpu.memref_slice %arg2[%dma_start3A_71, %dma_start3A_72] : memref<65536x32xf32, #tpu.memory_space<hbm>> -> memref<65536x32xf32, #tpu.memory_space<hbm>>
        tpu.enqueue_indirect_dma source(%dma_start3A_73 : memref<65536x32xf32, #tpu.memory_space<hbm>>) target(%arg8 : memref<1024x32xf32, #tpu.memory_space<vmem>>) offsets(%arg6 : memref<1024xi32, #tpu.memory_space<vmem>>) semaphore(%arg10 : memref<!tpu.dma_semaphore, #tpu.memory_space<semaphore_mem>>)
      } else {
      }
    }
    %scan3A_16 = arith.constant 16 : i32
    return
  }
}

module attributes {stable_mosaic.version = 14 : i64} {
  func.func @_xmom_body(%arg0: i32, %arg1: memref<8192x10xf32, #tpu.memory_space<vmem>>, %arg2: memref<11x11xf32, #tpu.memory_space<vmem>>) attributes {dimension_semantics = [#tpu.dimension_semantics<arbitrary>], iteration_bounds = array<i64: 128>, scalar_prefetch = 0 : i64, scratch_operands = 0 : i64, tpu.core_type = #tpu.core_type<tc>, window_params = [{transform_indices = @transform_0, window_bounds = array<i64: 8192, 10>}, {pipeline_mode = #tpu.pipeline_mode<synchronous>, transform_indices = @transform_1, window_bounds = array<i64: 11, 11>}]} {
    %get3A = arith.constant 0 : index
    %get3A_0 = arith.constant 0 : index
    %get3A_1 = vector.load %arg1[%get3A, %get3A_0] : memref<8192x10xf32, #tpu.memory_space<vmem>>, vector<8192x10xf32>
    %broadcast_in_dim3A = arith.constant 1.000000e+00 : f32
    %broadcast_in_dim3A_2 = vector.broadcast %broadcast_in_dim3A : f32 to vector<8192x1xf32>
    %concatenate3A = tpu.concatenate %get3A_1, %broadcast_in_dim3A_2 in 1 : vector<8192x10xf32>, vector<8192x1xf32> -> vector<8192x11xf32>
    %dot_general3A = arith.constant dense<0.000000e+00> : vector<11x11xf32>
    %dot_general3A_3 = tpu.matmul %concatenate3A, %concatenate3A, %dot_general3A {dimension_numbers = #tpu.dot_dimension_numbers<[0], [0], [1], [1], [0, 1, 1, 1], [], []>, transpose_lhs_hint = false} : vector<8192x11xf32>, vector<8192x11xf32>, vector<11x11xf32> -> vector<11x11xf32>
    %eq3A = arith.constant 0 : i32
    %eq3A_4 = arith.cmpi eq, %arg0, %eq3A : i32
    %convert_element_type3A = arith.extui %eq3A_4 : i1 to i32
    %cond3A = arith.constant 0 : i32
    %cond3A_5 = arith.cmpi ne, %convert_element_type3A, %cond3A : i32
    scf.if %cond3A_5 {
      %broadcast_in_dim3A_11 = arith.constant 0.000000e+00 : f32
      %broadcast_in_dim3A_12 = vector.broadcast %broadcast_in_dim3A_11 : f32 to vector<11x11xf32>
      %swap3A_13 = arith.constant 0 : index
      %swap3A_14 = arith.constant 0 : index
      %swap3A_15 = vector.load %arg2[%swap3A_13, %swap3A_14] : memref<11x11xf32, #tpu.memory_space<vmem>>, vector<11x11xf32>
      tpu.vector_store %arg2[%swap3A_13, %swap3A_14], %broadcast_in_dim3A_12 {strides = array<i32>} : memref<11x11xf32, #tpu.memory_space<vmem>>, vector<11x11xf32>,
    } else {
    }
    %get3A_6 = arith.constant 0 : index
    %get3A_7 = arith.constant 0 : index
    %get3A_8 = vector.load %arg2[%get3A_6, %get3A_7] : memref<11x11xf32, #tpu.memory_space<vmem>>, vector<11x11xf32>
    %add3A = arith.addf %get3A_8, %dot_general3A_3 : vector<11x11xf32>
    %swap3A = arith.constant 0 : index
    %swap3A_9 = arith.constant 0 : index
    %swap3A_10 = vector.load %arg2[%swap3A, %swap3A_9] : memref<11x11xf32, #tpu.memory_space<vmem>>, vector<11x11xf32>
    tpu.vector_store %arg2[%swap3A, %swap3A_9], %add3A {strides = array<i32>} : memref<11x11xf32, #tpu.memory_space<vmem>>, vector<11x11xf32>,
    return
  }
  func.func @transform_0(%arg0: i32) -> (i32, i32) {
    %c0_i32 = arith.constant 0 : i32
    %c0_i32_0 = arith.constant 0 : i32
    return %arg0, %c0_i32 : i32, i32
  }
  func.func @transform_1(%arg0: i32) -> (i32, i32) {
    %c0_i32 = arith.constant 0 : i32
    %c0_i32_0 = arith.constant 0 : i32
    %c0_i32_1 = arith.constant 0 : i32
    return %c0_i32, %c0_i32_0 : i32, i32
  }
}

module attributes {stable_mosaic.version = 14 : i64} {
  func.func @_main_body(%arg0: i32, %arg1: memref<8192x32xf32, #tpu.memory_space<vmem>>, %arg2: memref<8192x10xf32, #tpu.memory_space<vmem>>, %arg3: memref<512x32xf32, #tpu.memory_space<vmem>>, %arg4: memref<10x32xf32, #tpu.memory_space<vmem>>, %arg5: memref<1x32xf32, #tpu.memory_space<vmem>>, %arg6: memref<64x64xf32, #tpu.memory_space<vmem>>, %arg7: memref<512x64xf32, #tpu.memory_space<vmem>>, %arg8: memref<65x65xf32, #tpu.memory_space<vmem>>, %arg9: memref<33x33xf32, #tpu.memory_space<vmem>>) attributes {dimension_semantics = [#tpu.dimension_semantics<arbitrary>], iteration_bounds = array<i64: 128>, scalar_prefetch = 0 : i64, scratch_operands = 0 : i64, tpu.core_type = #tpu.core_type<tc>, window_params = [{transform_indices = @transform_0, window_bounds = array<i64: 8192, 32>}, {transform_indices = @transform_1, window_bounds = array<i64: 8192, 10>}, {transform_indices = @transform_2, window_bounds = array<i64: 512, 32>}, {pipeline_mode = #tpu.pipeline_mode<synchronous>, transform_indices = @transform_3, window_bounds = array<i64: 10, 32>}, {pipeline_mode = #tpu.pipeline_mode<synchronous>, transform_indices = @transform_4, window_bounds = array<i64: 1, 32>}, {pipeline_mode = #tpu.pipeline_mode<synchronous>, transform_indices = @transform_5, window_bounds = array<i64: 64, 64>}, {transform_indices = @transform_6, window_bounds = array<i64: 512, 64>}, {pipeline_mode = #tpu.pipeline_mode<synchronous>, transform_indices = @transform_7, window_bounds = array<i64: 65, 65>}, {pipeline_mode = #tpu.pipeline_mode<synchronous>, transform_indices = @transform_8, window_bounds = array<i64: 33, 33>}]} {
    %get3A = arith.constant 0 : index
    %get3A_0 = arith.constant 0 : index
    %get3A_1 = vector.load %arg2[%get3A, %get3A_0] : memref<8192x10xf32, #tpu.memory_space<vmem>>, vector<8192x10xf32>
    %get3A_2 = arith.constant 0 : index
    %get3A_3 = arith.constant 0 : index
    %get3A_4 = vector.load %arg4[%get3A_2, %get3A_3] : memref<10x32xf32, #tpu.memory_space<vmem>>, vector<10x32xf32>
    %dot_general3A = arith.constant dense<0.000000e+00> : vector<8192x32xf32>
    %dot_general3A_5 = tpu.matmul %get3A_1, %get3A_4, %dot_general3A {dimension_numbers = #tpu.dot_dimension_numbers<[1], [0], [0], [1], [0, 0, 1, 1], [], []>, transpose_lhs_hint = false} : vector<8192x10xf32>, vector<10x32xf32>, vector<8192x32xf32> -> vector<8192x32xf32>
    %get3A_6 = arith.constant 0 : index
    %get3A_7 = arith.constant 0 : index
    %get3A_8 = vector.load %arg5[%get3A_6, %get3A_7] : memref<1x32xf32, #tpu.memory_space<vmem>>, vector<1x32xf32>
    %add3A = vector.broadcast %get3A_8 : vector<1x32xf32> to vector<8192x32xf32>
    %add3A_9 = arith.addf %dot_general3A_5, %add3A : vector<8192x32xf32>
    %mul3A = arith.constant 2.000000e-01 : f32
    %mul3A_10 = vector.broadcast %mul3A : f32 to vector<8192x32xf32>
    %mul3A_11 = arith.mulf %mul3A_10, %add3A_9 : vector<8192x32xf32>
    %max3A = arith.maximumf %add3A_9, %mul3A_11 : vector<8192x32xf32>
    %get3A_12 = arith.constant 0 : index
    %get3A_13 = arith.constant 0 : index
    %get3A_14 = vector.load %arg1[%get3A_12, %get3A_13] : memref<8192x32xf32, #tpu.memory_space<vmem>>, vector<8192x32xf32>
    %get3A_15 = arith.constant 0 : index
    %get3A_16 = arith.constant 0 : index
    %get3A_17 = vector.load %arg6[%get3A_15, %get3A_16] : memref<64x64xf32, #tpu.memory_space<vmem>>, vector<64x64xf32>
    %slice3A = vector.extract_strided_slice %get3A_17 {offsets = [0, 0], sizes = [32, 64], strides = [1, 1]} : vector<64x64xf32> to vector<32x64xf32>
    %dot_general3A_18 = arith.constant dense<0.000000e+00> : vector<8192x64xf32>
    %dot_general3A_19 = tpu.matmul %get3A_14, %slice3A, %dot_general3A_18 {dimension_numbers = #tpu.dot_dimension_numbers<[1], [0], [0], [1], [0, 0, 1, 1], [], []>, transpose_lhs_hint = false} : vector<8192x32xf32>, vector<32x64xf32>, vector<8192x64xf32> -> vector<8192x64xf32>
    %slice3A_20 = vector.extract_strided_slice %get3A_17 {offsets = [32, 0], sizes = [32, 64], strides = [1, 1]} : vector<64x64xf32> to vector<32x64xf32>
    %dot_general3A_21 = arith.constant dense<0.000000e+00> : vector<8192x64xf32>
    %dot_general3A_22 = tpu.matmul %max3A, %slice3A_20, %dot_general3A_21 {dimension_numbers = #tpu.dot_dimension_numbers<[1], [0], [0], [1], [0, 0, 1, 1], [], []>, transpose_lhs_hint = false} : vector<8192x32xf32>, vector<32x64xf32>, vector<8192x64xf32> -> vector<8192x64xf32>
    %add3A_23 = arith.addf %dot_general3A_19, %dot_general3A_22 : vector<8192x64xf32>
    %exp3A = math.exp %add3A_23 : vector<8192x64xf32>
    %reshape3A = vector.shape_cast %exp3A : vector<8192x64xf32> to vector<512x16x64xf32>
    %slice3A_24 = vector.extract_strided_slice %reshape3A {offsets = [0, 0, 0], sizes = [512, 8, 64], strides = [1, 1, 1]} : vector<512x16x64xf32> to vector<512x8x64xf32>
    %slice3A_25 = vector.extract_strided_slice %reshape3A {offsets = [0, 8, 0], sizes = [512, 8, 64], strides = [1, 1, 1]} : vector<512x16x64xf32> to vector<512x8x64xf32>
    %add3A_26 = arith.addf %slice3A_24, %slice3A_25 : vector<512x8x64xf32>
    %slice3A_27 = vector.extract_strided_slice %add3A_26 {offsets = [0, 0, 0], sizes = [512, 4, 64], strides = [1, 1, 1]} : vector<512x8x64xf32> to vector<512x4x64xf32>
    %slice3A_28 = vector.extract_strided_slice %add3A_26 {offsets = [0, 4, 0], sizes = [512, 4, 64], strides = [1, 1, 1]} : vector<512x8x64xf32> to vector<512x4x64xf32>
    %add3A_29 = arith.addf %slice3A_27, %slice3A_28 : vector<512x4x64xf32>
    %slice3A_30 = vector.extract_strided_slice %add3A_29 {offsets = [0, 0, 0], sizes = [512, 2, 64], strides = [1, 1, 1]} : vector<512x4x64xf32> to vector<512x2x64xf32>
    %slice3A_31 = vector.extract_strided_slice %add3A_29 {offsets = [0, 2, 0], sizes = [512, 2, 64], strides = [1, 1, 1]} : vector<512x4x64xf32> to vector<512x2x64xf32>
    %add3A_32 = arith.addf %slice3A_30, %slice3A_31 : vector<512x2x64xf32>
    %slice3A_33 = vector.extract_strided_slice %add3A_32 {offsets = [0, 0, 0], sizes = [512, 1, 64], strides = [1, 1, 1]} : vector<512x2x64xf32> to vector<512x1x64xf32>
    %slice3A_34 = vector.extract_strided_slice %add3A_32 {offsets = [0, 1, 0], sizes = [512, 1, 64], strides = [1, 1, 1]} : vector<512x2x64xf32> to vector<512x1x64xf32>
    %add3A_35 = arith.addf %slice3A_33, %slice3A_34 : vector<512x1x64xf32>
    %squeeze3A = vector.shape_cast %add3A_35 : vector<512x1x64xf32> to vector<512x64xf32>
    %slice3A_36 = vector.extract_strided_slice %exp3A {offsets = [0, 0], sizes = [8192, 32], strides = [1, 1]} : vector<8192x64xf32> to vector<8192x32xf32>
    %mul3A_37 = arith.mulf %slice3A_36, %get3A_14 : vector<8192x32xf32>
    %reshape3A_38 = vector.shape_cast %mul3A_37 : vector<8192x32xf32> to vector<512x16x32xf32>
    %slice3A_39 = vector.extract_strided_slice %reshape3A_38 {offsets = [0, 0, 0], sizes = [512, 8, 32], strides = [1, 1, 1]} : vector<512x16x32xf32> to vector<512x8x32xf32>
    %slice3A_40 = vector.extract_strided_slice %reshape3A_38 {offsets = [0, 8, 0], sizes = [512, 8, 32], strides = [1, 1, 1]} : vector<512x16x32xf32> to vector<512x8x32xf32>
    %add3A_41 = arith.addf %slice3A_39, %slice3A_40 : vector<512x8x32xf32>
    %slice3A_42 = vector.extract_strided_slice %add3A_41 {offsets = [0, 0, 0], sizes = [512, 4, 32], strides = [1, 1, 1]} : vector<512x8x32xf32> to vector<512x4x32xf32>
    %slice3A_43 = vector.extract_strided_slice %add3A_41 {offsets = [0, 4, 0], sizes = [512, 4, 32], strides = [1, 1, 1]} : vector<512x8x32xf32> to vector<512x4x32xf32>
    %add3A_44 = arith.addf %slice3A_42, %slice3A_43 : vector<512x4x32xf32>
    %slice3A_45 = vector.extract_strided_slice %add3A_44 {offsets = [0, 0, 0], sizes = [512, 2, 32], strides = [1, 1, 1]} : vector<512x4x32xf32> to vector<512x2x32xf32>
    %slice3A_46 = vector.extract_strided_slice %add3A_44 {offsets = [0, 2, 0], sizes = [512, 2, 32], strides = [1, 1, 1]} : vector<512x4x32xf32> to vector<512x2x32xf32>
    %add3A_47 = arith.addf %slice3A_45, %slice3A_46 : vector<512x2x32xf32>
    %slice3A_48 = vector.extract_strided_slice %add3A_47 {offsets = [0, 0, 0], sizes = [512, 1, 32], strides = [1, 1, 1]} : vector<512x2x32xf32> to vector<512x1x32xf32>
    %slice3A_49 = vector.extract_strided_slice %add3A_47 {offsets = [0, 1, 0], sizes = [512, 1, 32], strides = [1, 1, 1]} : vector<512x2x32xf32> to vector<512x1x32xf32>
    %add3A_50 = arith.addf %slice3A_48, %slice3A_49 : vector<512x1x32xf32>
    %squeeze3A_51 = vector.shape_cast %add3A_50 : vector<512x1x32xf32> to vector<512x32xf32>
    %slice3A_52 = vector.extract_strided_slice %exp3A {offsets = [0, 32], sizes = [8192, 32], strides = [1, 1]} : vector<8192x64xf32> to vector<8192x32xf32>
    %mul3A_53 = arith.mulf %slice3A_52, %max3A : vector<8192x32xf32>
    %reshape3A_54 = vector.shape_cast %mul3A_53 : vector<8192x32xf32> to vector<512x16x32xf32>
    %slice3A_55 = vector.extract_strided_slice %reshape3A_54 {offsets = [0, 0, 0], sizes = [512, 8, 32], strides = [1, 1, 1]} : vector<512x16x32xf32> to vector<512x8x32xf32>
    %slice3A_56 = vector.extract_strided_slice %reshape3A_54 {offsets = [0, 8, 0], sizes = [512, 8, 32], strides = [1, 1, 1]} : vector<512x16x32xf32> to vector<512x8x32xf32>
    %add3A_57 = arith.addf %slice3A_55, %slice3A_56 : vector<512x8x32xf32>
    %slice3A_58 = vector.extract_strided_slice %add3A_57 {offsets = [0, 0, 0], sizes = [512, 4, 32], strides = [1, 1, 1]} : vector<512x8x32xf32> to vector<512x4x32xf32>
    %slice3A_59 = vector.extract_strided_slice %add3A_57 {offsets = [0, 4, 0], sizes = [512, 4, 32], strides = [1, 1, 1]} : vector<512x8x32xf32> to vector<512x4x32xf32>
    %add3A_60 = arith.addf %slice3A_58, %slice3A_59 : vector<512x4x32xf32>
    %slice3A_61 = vector.extract_strided_slice %add3A_60 {offsets = [0, 0, 0], sizes = [512, 2, 32], strides = [1, 1, 1]} : vector<512x4x32xf32> to vector<512x2x32xf32>
    %slice3A_62 = vector.extract_strided_slice %add3A_60 {offsets = [0, 2, 0], sizes = [512, 2, 32], strides = [1, 1, 1]} : vector<512x4x32xf32> to vector<512x2x32xf32>
    %add3A_63 = arith.addf %slice3A_61, %slice3A_62 : vector<512x2x32xf32>
    %slice3A_64 = vector.extract_strided_slice %add3A_63 {offsets = [0, 0, 0], sizes = [512, 1, 32], strides = [1, 1, 1]} : vector<512x2x32xf32> to vector<512x1x32xf32>
    %slice3A_65 = vector.extract_strided_slice %add3A_63 {offsets = [0, 1, 0], sizes = [512, 1, 32], strides = [1, 1, 1]} : vector<512x2x32xf32> to vector<512x1x32xf32>
    %add3A_66 = arith.addf %slice3A_64, %slice3A_65 : vector<512x1x32xf32>
    %squeeze3A_67 = vector.shape_cast %add3A_66 : vector<512x1x32xf32> to vector<512x32xf32>
    %concatenate3A = tpu.concatenate %squeeze3A_51, %squeeze3A_67 in 1 : vector<512x32xf32>, vector<512x32xf32> -> vector<512x64xf32>
    %div3A = arith.divf %concatenate3A, %squeeze3A : vector<512x64xf32>
    %swap3A = arith.constant 0 : index
    %swap3A_68 = arith.constant 0 : index
    %swap3A_69 = vector.load %arg7[%swap3A, %swap3A_68] : memref<512x64xf32, #tpu.memory_space<vmem>>, vector<512x64xf32>
    tpu.vector_store %arg7[%swap3A, %swap3A_68], %div3A {strides = array<i32>} : memref<512x64xf32, #tpu.memory_space<vmem>>, vector<512x64xf32>,
    %broadcast_in_dim3A = arith.constant 1.000000e+00 : f32
    %broadcast_in_dim3A_70 = vector.broadcast %broadcast_in_dim3A : f32 to vector<512x1xf32>
    %concatenate3A_71 = tpu.concatenate %div3A, %broadcast_in_dim3A_70 in 1 : vector<512x64xf32>, vector<512x1xf32> -> vector<512x65xf32>
    %dot_general3A_72 = arith.constant dense<0.000000e+00> : vector<65x65xf32>
    %dot_general3A_73 = tpu.matmul %concatenate3A_71, %concatenate3A_71, %dot_general3A_72 {dimension_numbers = #tpu.dot_dimension_numbers<[0], [0], [1], [1], [0, 1, 1, 1], [], []>, transpose_lhs_hint = false} : vector<512x65xf32>, vector<512x65xf32>, vector<65x65xf32> -> vector<65x65xf32>
    %get3A_74 = arith.constant 0 : index
    %get3A_75 = arith.constant 0 : index
    %get3A_76 = vector.load %arg3[%get3A_74, %get3A_75] : memref<512x32xf32, #tpu.memory_space<vmem>>, vector<512x32xf32>
    %concatenate3A_77 = tpu.concatenate %get3A_76, %broadcast_in_dim3A_70 in 1 : vector<512x32xf32>, vector<512x1xf32> -> vector<512x33xf32>
    %dot_general3A_78 = arith.constant dense<0.000000e+00> : vector<33x33xf32>
    %dot_general3A_79 = tpu.matmul %concatenate3A_77, %concatenate3A_77, %dot_general3A_78 {dimension_numbers = #tpu.dot_dimension_numbers<[0], [0], [1], [1], [0, 1, 1, 1], [], []>, transpose_lhs_hint = false} : vector<512x33xf32>, vector<512x33xf32>, vector<33x33xf32> -> vector<33x33xf32>
    %eq3A = arith.constant 0 : i32
    %eq3A_80 = arith.cmpi eq, %arg0, %eq3A : i32
    %convert_element_type3A = arith.extui %eq3A_80 : i1 to i32
    %cond3A = arith.constant 0 : i32
    %cond3A_81 = arith.cmpi ne, %convert_element_type3A, %cond3A : i32
    scf.if %cond3A_81 {
      %broadcast_in_dim3A_96 = arith.constant 0.000000e+00 : f32
      %broadcast_in_dim3A_97 = vector.broadcast %broadcast_in_dim3A_96 : f32 to vector<65x65xf32>
      %swap3A_98 = arith.constant 0 : index
      %swap3A_99 = arith.constant 0 : index
      %swap3A_100 = vector.load %arg8[%swap3A_98, %swap3A_99] : memref<65x65xf32, #tpu.memory_space<vmem>>, vector<65x65xf32>
      tpu.vector_store %arg8[%swap3A_98, %swap3A_99], %broadcast_in_dim3A_97 {strides = array<i32>} : memref<65x65xf32, #tpu.memory_space<vmem>>, vector<65x65xf32>,
      %broadcast_in_dim3A_101 = arith.constant 0.000000e+00 : f32
      %broadcast_in_dim3A_102 = vector.broadcast %broadcast_in_dim3A_101 : f32 to vector<33x33xf32>
      %swap3A_103 = arith.constant 0 : index
      %swap3A_104 = arith.constant 0 : index
      %swap3A_105 = vector.load %arg9[%swap3A_103, %swap3A_104] : memref<33x33xf32, #tpu.memory_space<vmem>>, vector<33x33xf32>
      tpu.vector_store %arg9[%swap3A_103, %swap3A_104], %broadcast_in_dim3A_102 {strides = array<i32>} : memref<33x33xf32, #tpu.memory_space<vmem>>, vector<33x33xf32>,
    } else {
    }
    %get3A_82 = arith.constant 0 : index
    %get3A_83 = arith.constant 0 : index
    %get3A_84 = vector.load %arg8[%get3A_82, %get3A_83] : memref<65x65xf32, #tpu.memory_space<vmem>>, vector<65x65xf32>
    %add3A_85 = arith.addf %get3A_84, %dot_general3A_73 : vector<65x65xf32>
    %swap3A_86 = arith.constant 0 : index
    %swap3A_87 = arith.constant 0 : index
    %swap3A_88 = vector.load %arg8[%swap3A_86, %swap3A_87] : memref<65x65xf32, #tpu.memory_space<vmem>>, vector<65x65xf32>
    tpu.vector_store %arg8[%swap3A_86, %swap3A_87], %add3A_85 {strides = array<i32>} : memref<65x65xf32, #tpu.memory_space<vmem>>, vector<65x65xf32>,
    %get3A_89 = arith.constant 0 : index
    %get3A_90 = arith.constant 0 : index
    %get3A_91 = vector.load %arg9[%get3A_89, %get3A_90] : memref<33x33xf32, #tpu.memory_space<vmem>>, vector<33x33xf32>
    %add3A_92 = arith.addf %get3A_91, %dot_general3A_79 : vector<33x33xf32>
    %swap3A_93 = arith.constant 0 : index
    %swap3A_94 = arith.constant 0 : index
    %swap3A_95 = vector.load %arg9[%swap3A_93, %swap3A_94] : memref<33x33xf32, #tpu.memory_space<vmem>>, vector<33x33xf32>
    tpu.vector_store %arg9[%swap3A_93, %swap3A_94], %add3A_92 {strides = array<i32>} : memref<33x33xf32, #tpu.memory_space<vmem>>, vector<33x33xf32>,
    return
  }
  func.func @transform_0(%arg0: i32) -> (i32, i32) {
    %c0_i32 = arith.constant 0 : i32
    %c0_i32_0 = arith.constant 0 : i32
    return %arg0, %c0_i32 : i32, i32
  }
  func.func @transform_1(%arg0: i32) -> (i32, i32) {
    %c0_i32 = arith.constant 0 : i32
    %c0_i32_0 = arith.constant 0 : i32
    return %arg0, %c0_i32 : i32, i32
  }
  func.func @transform_2(%arg0: i32) -> (i32, i32) {
    %c0_i32 = arith.constant 0 : i32
    %c0_i32_0 = arith.constant 0 : i32
    return %arg0, %c0_i32 : i32, i32
  }
  func.func @transform_3(%arg0: i32) -> (i32, i32) {
    %c0_i32 = arith.constant 0 : i32
    %c0_i32_0 = arith.constant 0 : i32
    %c0_i32_1 = arith.constant 0 : i32
    return %c0_i32, %c0_i32_0 : i32, i32
  }
  func.func @transform_4(%arg0: i32) -> (i32, i32) {
    %c0_i32 = arith.constant 0 : i32
    %c0_i32_0 = arith.constant 0 : i32
    %c0_i32_1 = arith.constant 0 : i32
    return %c0_i32, %c0_i32_0 : i32, i32
  }
  func.func @transform_5(%arg0: i32) -> (i32, i32) {
    %c0_i32 = arith.constant 0 : i32
    %c0_i32_0 = arith.constant 0 : i32
    %c0_i32_1 = arith.constant 0 : i32
    return %c0_i32, %c0_i32_0 : i32, i32
  }
  func.func @transform_6(%arg0: i32) -> (i32, i32) {
    %c0_i32 = arith.constant 0 : i32
    %c0_i32_0 = arith.constant 0 : i32
    return %arg0, %c0_i32 : i32, i32
  }
  func.func @transform_7(%arg0: i32) -> (i32, i32) {
    %c0_i32 = arith.constant 0 : i32
    %c0_i32_0 = arith.constant 0 : i32
    %c0_i32_1 = arith.constant 0 : i32
    return %c0_i32, %c0_i32_0 : i32, i32
  }
  func.func @transform_8(%arg0: i32) -> (i32, i32) {
    %c0_i32 = arith.constant 0 : i32
    %c0_i32_0 = arith.constant 0 : i32
    %c0_i32_1 = arith.constant 0 : i32
    return %c0_i32, %c0_i32_0 : i32, i32
  }
}

module attributes {stable_mosaic.version = 14 : i64} {
  func.func @_finish_body(%arg0: i32, %arg1: memref<4096x32xf32, #tpu.memory_space<vmem>>, %arg2: memref<4096x64xf32, #tpu.memory_space<vmem>>, %arg3: memref<32x64xf32, #tpu.memory_space<vmem>>, %arg4: memref<64x64xf32, #tpu.memory_space<vmem>>, %arg5: memref<1x64xf32, #tpu.memory_space<vmem>>, %arg6: memref<4096x64xf32, #tpu.memory_space<vmem>>) attributes {dimension_semantics = [#tpu.dimension_semantics<arbitrary>], iteration_bounds = array<i64: 16>, scalar_prefetch = 0 : i64, scratch_operands = 0 : i64, tpu.core_type = #tpu.core_type<tc>, window_params = [{transform_indices = @transform_0, window_bounds = array<i64: 4096, 32>}, {transform_indices = @transform_1, window_bounds = array<i64: 4096, 64>}, {pipeline_mode = #tpu.pipeline_mode<synchronous>, transform_indices = @transform_2, window_bounds = array<i64: 32, 64>}, {pipeline_mode = #tpu.pipeline_mode<synchronous>, transform_indices = @transform_3, window_bounds = array<i64: 64, 64>}, {pipeline_mode = #tpu.pipeline_mode<synchronous>, transform_indices = @transform_4, window_bounds = array<i64: 1, 64>}, {transform_indices = @transform_5, window_bounds = array<i64: 4096, 64>}]} {
    %get3A = arith.constant 0 : index
    %get3A_0 = arith.constant 0 : index
    %get3A_1 = vector.load %arg1[%get3A, %get3A_0] : memref<4096x32xf32, #tpu.memory_space<vmem>>, vector<4096x32xf32>
    %get3A_2 = arith.constant 0 : index
    %get3A_3 = arith.constant 0 : index
    %get3A_4 = vector.load %arg3[%get3A_2, %get3A_3] : memref<32x64xf32, #tpu.memory_space<vmem>>, vector<32x64xf32>
    %dot_general3A = arith.constant dense<0.000000e+00> : vector<4096x64xf32>
    %dot_general3A_5 = tpu.matmul %get3A_1, %get3A_4, %dot_general3A {dimension_numbers = #tpu.dot_dimension_numbers<[1], [0], [0], [1], [0, 0, 1, 1], [], []>, transpose_lhs_hint = false} : vector<4096x32xf32>, vector<32x64xf32>, vector<4096x64xf32> -> vector<4096x64xf32>
    %get3A_6 = arith.constant 0 : index
    %get3A_7 = arith.constant 0 : index
    %get3A_8 = vector.load %arg2[%get3A_6, %get3A_7] : memref<4096x64xf32, #tpu.memory_space<vmem>>, vector<4096x64xf32>
    %get3A_9 = arith.constant 0 : index
    %get3A_10 = arith.constant 0 : index
    %get3A_11 = vector.load %arg4[%get3A_9, %get3A_10] : memref<64x64xf32, #tpu.memory_space<vmem>>, vector<64x64xf32>
    %dot_general3A_12 = arith.constant dense<0.000000e+00> : vector<4096x64xf32>
    %dot_general3A_13 = tpu.matmul %get3A_8, %get3A_11, %dot_general3A_12 {dimension_numbers = #tpu.dot_dimension_numbers<[1], [0], [0], [1], [0, 0, 1, 1], [], []>, transpose_lhs_hint = false} : vector<4096x64xf32>, vector<64x64xf32>, vector<4096x64xf32> -> vector<4096x64xf32>
    %add3A = arith.addf %dot_general3A_5, %dot_general3A_13 : vector<4096x64xf32>
    %get3A_14 = arith.constant 0 : index
    %get3A_15 = arith.constant 0 : index
    %get3A_16 = vector.load %arg5[%get3A_14, %get3A_15] : memref<1x64xf32, #tpu.memory_space<vmem>>, vector<1x64xf32>
    %add3A_17 = vector.broadcast %get3A_16 : vector<1x64xf32> to vector<4096x64xf32>
    %add3A_18 = arith.addf %add3A, %add3A_17 : vector<4096x64xf32>
    %mul3A = arith.constant 2.000000e-01 : f32
    %mul3A_19 = vector.broadcast %mul3A : f32 to vector<4096x64xf32>
    %mul3A_20 = arith.mulf %mul3A_19, %add3A_18 : vector<4096x64xf32>
    %max3A = arith.maximumf %add3A_18, %mul3A_20 : vector<4096x64xf32>
    %swap3A = arith.constant 0 : index
    %swap3A_21 = arith.constant 0 : index
    %swap3A_22 = vector.load %arg6[%swap3A, %swap3A_21] : memref<4096x64xf32, #tpu.memory_space<vmem>>, vector<4096x64xf32>
    tpu.vector_store %arg6[%swap3A, %swap3A_21], %max3A {strides = array<i32>} : memref<4096x64xf32, #tpu.memory_space<vmem>>, vector<4096x64xf32>,
    return
  }
  func.func @transform_0(%arg0: i32) -> (i32, i32) {
    %c0_i32 = arith.constant 0 : i32
    %c0_i32_0 = arith.constant 0 : i32
    return %arg0, %c0_i32 : i32, i32
  }
  func.func @transform_1(%arg0: i32) -> (i32, i32) {
    %c0_i32 = arith.constant 0 : i32
    %c0_i32_0 = arith.constant 0 : i32
    return %arg0, %c0_i32 : i32, i32
  }
  func.func @transform_2(%arg0: i32) -> (i32, i32) {
    %c0_i32 = arith.constant 0 : i32
    %c0_i32_0 = arith.constant 0 : i32
    %c0_i32_1 = arith.constant 0 : i32
    return %c0_i32, %c0_i32_0 : i32, i32
  }
  func.func @transform_3(%arg0: i32) -> (i32, i32) {
    %c0_i32 = arith.constant 0 : i32
    %c0_i32_0 = arith.constant 0 : i32
    %c0_i32_1 = arith.constant 0 : i32
    return %c0_i32, %c0_i32_0 : i32, i32
  }
  func.func @transform_4(%arg0: i32) -> (i32, i32) {
    %c0_i32 = arith.constant 0 : i32
    %c0_i32_0 = arith.constant 0 : i32
    %c0_i32_1 = arith.constant 0 : i32
    return %c0_i32, %c0_i32_0 : i32, i32
  }
  func.func @transform_5(%arg0: i32) -> (i32, i32) {
    %c0_i32 = arith.constant 0 : i32
    %c0_i32_0 = arith.constant 0 : i32
    return %arg0, %c0_i32 : i32, i32
  }
}

</mosaic_0001>

<sc_bundles>
// kernel: kernel.6.cloned.1.call-start
scs
__scs_entry_jumppad:
0x0: {  	(pc) =	sbr.rel $0x88, $3  }
0x1: {  	(tag) =	ssettag $0x0;
	lr =	simm.s32 $0x1  }
0x2: {  	[smem:$0x3F90] =	sst lr;
	_ =	strace $0xD0000000  }
0x3: {  	_ = 	snop  }
0x4: {  	_ = 	snop  }
0x5: {  	_ = 	snop  }
0x6: {  	_ = 	snop  }
0x7: {  	_ = 	snop  }
__scs_overlays_trampoline_lowered:
0x8: {  	[smem:$0x3F9F] =	sst s0  }
0x9: {  	[smem:$0x3FA0] =	sst s1  }
0xa: {  	[smem:$0x3FA1] =	sst s2  }
0xb: {  	[smem:$0x3FA2] =	sst s3  }
0xc: {  	[smem:$0x3FA3] =	sst s4  }
0xd: {  	[smem:$0x3FA4] =	sst s5  }
0xe: {  	[smem:$0x3FA5] =	sst s6  }
0xf: {  	[smem:$0x3FA6] =	sst s7  }
0x10: {  	[smem:$0x3FA7] =	sst s8  }
0x11: {  	[smem:$0x3FA8] =	sst s9;
	s0 =	simm.s32 @!p0 $0x0  }
0x12: {  	s1 =	sld [smem:$0x3F8E];
	s0 =	simm.s32 @p0 $0x1  }
0x13: {  	[smem:$0x3FA9] =	sst s0;
	s0 =	simm.s32 @!p1 $0x0  }
0x14: {  	s2 =	sld [smem:$0x3F8D];
	s0 =	simm.s32 @p1 $0x1  }
0x15: {  	[smem:$0x3FAA] =	sst s0;
	s0 =	simm.s32 @!p2 $0x0  }
0x16: {  	s3 =	sld [smem:$0x3FDB];
	s0 =	simm.s32 @p2 $0x1  }
0x17: {  	s4 =	simm.s32 $0x1BF5;
	[smem:$0x3FAC] =	sst s0  }
0x18: {  	s0 =	sld [smem:$0x3F8F];
	_ =	swait.ge [sflag:s4], $0x0  }
0x19: {  	s7 =	sld [smem:$0x3F90]  }
0x1a: {  	s8 =	sadd.s32 $0xFFFFE003, lr  }
0x1b: {  	s9 =	sadd.s32 $0xFFFFFEF7, lr;
	s5 =	simm.s32 $0xFFFFFFFF;
	p2 =	slt.u32 s8, $0xFFFFF086  }
0x1c: {  	p1 =	slt.u32 s9, $0xF7A;
	s5 =	simm.s32 @!p2 $0x0  }
0x1d: {  	s5 =	simm.s32 @p1 $0x1;
	p0 =	seq.s32 s7, s2  }
0x1e: {  	s7 =	smul.u32 @!p0 $0xF7A, s2;
	p2 =	seq.s32 @!p0 s5, $0x0  }
0x1f: {  	s9 =	smul.u32 $0xF7A, s1;
	s8 =	simm.s32 @!p0 $0x1BF5;
	p2 =	por !p2, p0  }
0x20: {  	[sflag:s8] =	ssyncset.s32 @!p0 $0xFFFFF086;
	s6 =	sadd.s32 @!p0 s3, s7;
	s7 =	simm.s32 @!p0 $0x108  }
0x21: {  	s3 =	sadd.s32 s3, s9;
	s6 =	sadd.s32 @!p0 $0x88, s6;
	s7 =	simm.s32 @p2 $0x1082  }
0x22: {  	[simem:s7], [sflag:s8] =	dma.local @!p0 [hbm:s6], $0xF7A  }
0x23: {  	s9 =	sor.u32 $0xD0000000, s2;
	s6 =	simm.s32 $0x108;
	_ =	swait.ge @!p0 [sflag:s8], $0x0  }
0x24: {  	s3 =	sadd.s32 $0x88, s3;
	s6 =	simm.s32 @!p1 $0x1082;
	[sflag:s4] =	ssyncset.s32 $0xFFFFF086  }
0x25: {  	[simem:s6], [sflag:s4] =	dma.local [hbm:s3], $0xF7A  }
0x26: {  	[smem:$0x3F90] =	sst s1;
	(tag) =	ssettag s2;
	_ =	strace s9  }
0x27: {  	s1 =	sld [smem:$0x3FA0]  }
0x28: {  	s2 =	sld [smem:$0x3FA1]  }
0x29: {  	s4 =	sld [smem:$0x3FA3]  }
0x2a: {  	p0 =	seq.s32 s5, $0x0;
	s5 =	sld [smem:$0x3FA4]  }
0x2b: {  	s6 =	sld [smem:$0x3FA5]  }
0x2c: {  	s7 =	sld [smem:$0x3FA6]  }
0x2d: {  	s3 =	simm.s32 $0x108;
	s8 =	sld [smem:$0x3FA7]  }
0x2e: {  	s3 =	simm.s32 @!p0 $0x1082;
	s9 =	sld [smem:$0x3FA8]  }
0x2f: {  	lr =	sadd.s32 s0, s3;
	s0 =	sld [smem:$0x3F9F]  }
0x30: {  	s3 =	sld [smem:$0x3FA2]  }
0x31: {  	[smem:$0x3FAB] =	sst s10  }
0x32: {  	s10 =	sld [smem:$0x3FA9];
	_ =	sdelay $0x3  }
0x33: {  	p0 =	seq.s32 s10, $0x1;
	s10 =	sld [smem:$0x3FAB];
	_ =	sdelay $0x3  }
0x34: {  	[smem:$0x3FAB] =	sst s10  }
0x35: {  	s10 =	sld [smem:$0x3FAA];
	_ =	sdelay $0x3  }
0x36: {  	p1 =	seq.s32 s10, $0x1;
	s10 =	sld [smem:$0x3FAB];
	_ =	sdelay $0x3  }
0x37: {  	[smem:$0x3FAB] =	sst s10  }
0x38: {  	s10 =	sld [smem:$0x3FAC]  }
0x39: {  	_ = 	snop;
	(pc) =	sbr.ind lr, $3  }
0x3a: {  	_ = 	snop  }
0x3b: {  	_ = 	snop  }
0x3c: {  	p2 =	seq.s32 s10, $0x1;
	s10 =	sld [smem:$0x3FAB]  }
0x3d: {  	_ =	shalt  }
0x3e: {  	_ =	shalt  }
0x3f: {  	_ =	shalt  }
0x40: {  	_ =	shalt  }
0x41: {  	_ =	shalt  }
0x42: {  	_ =	shalt  }
0x43: {  	_ =	shalt  }
0x44: {  	_ =	shalt  }
0x45: {  	_ =	shalt  }
0x46: {  	_ =	shalt  }
0x47: {  	_ =	shalt  }
0x48: {  	_ =	shalt  }
0x49: {  	_ =	shalt  }
0x4a: {  	_ =	shalt  }
0x4b: {  	_ =	shalt  }
0x4c: {  	_ =	shalt  }
0x4d: {  	_ =	shalt  }
0x4e: {  	_ =	shalt  }
0x4f: {  	_ =	shalt  }
0x50: {  	_ =	shalt  }
0x51: {  	_ =	shalt  }
0x52: {  	_ =	shalt  }
0x53: {  	_ =	shalt  }
0x54: {  	_ =	shalt  }
0x55: {  	_ =	shalt  }
0x56: {  	_ =	shalt  }
0x57: {  	_ =	shalt  }
0x58: {  	_ =	shalt  }
0x59: {  	_ =	shalt  }
0x5a: {  	_ =	shalt  }
0x5b: {  	_ =	shalt  }
0x5c: {  	_ =	shalt  }
0x5d: {  	_ =	shalt  }
0x5e: {  	_ =	shalt  }
0x5f: {  	_ =	shalt  }
0x60: {  	_ =	shalt  }
0x61: {  	_ =	shalt  }
0x62: {  	_ =	shalt  }
0x63: {  	_ =	shalt  }
0x64: {  	_ =	shalt  }
0x65: {  	_ =	shalt  }
0x66: {  	_ =	shalt  }
0x67: {  	_ =	shalt  }
0x68: {  	_ =	shalt  }
0x69: {  	_ =	shalt  }
0x6a: {  	_ =	shalt  }
0x6b: {  	_ =	shalt  }
0x6c: {  	_ =	shalt  }
0x6d: {  	_ =	shalt  }
0x6e: {  	_ =	shalt  }
0x6f: {  	_ =	shalt  }
0x70: {  	_ =	shalt  }
0x71: {  	_ =	shalt  }
0x72: {  	_ =	shalt  }
0x73: {  	_ =	shalt  }
0x74: {  	_ =	shalt  }
0x75: {  	_ =	shalt  }
0x76: {  	_ =	shalt  }
0x77: {  	_ =	shalt  }
0x78: {  	_ =	shalt  }
0x79: {  	_ =	shalt  }
0x7a: {  	_ =	shalt  }
0x7b: {  	_ =	shalt  }
0x7c: {  	_ =	shalt  }
0x7d: {  	_ =	shalt  }
0x7e: {  	_ =	shalt  }
0x7f: {  	_ =	shalt  }
0x80: {  	_ =	shalt  }
0x81: {  	_ =	shalt  }
0x82: {  	_ =	shalt  }
0x83: {  	_ =	shalt  }
0x84: {  	_ =	shalt  }
0x85: {  	_ =	shalt  }
0x86: {  	_ =	shalt  }
0x87: {  	_ =	shalt  }
.Lfunc_end0:
.L_simem_size_0:
called_computation_lowered:
.L_overlay_start_0:
0x88: {  	s2 =	sld [smem:$0x3FD9]  }
0x89: {  	s3 =	sld [smem:$0x3FFE];
	_ =	sdelay $0x1  }
0x8a: {  	s1 =	srdreg.scid  }
0x8b: {  	s0 =	sand.u32 $0x1, s1  }
0x8c: {  	s14 =	sshll.u32 s0, $0xA;
	s2 =	sadd.s32 s3, s2  }
0x8d: {  	s2 =	sadd.s32 s2, s14  }
0x8e: {  	[smem:$0x3FB7] =	sst s2  }
0x8f: {  	_ = 	snop  }
0x90: {  	s2 =	sld [smem:$0x3FD0];
	_ =	sdelay $0x2  }
0x91: {  	s15 =	simm.s32 $0xA;
	s4 =	simm.s32 $0x10  }
0x92: {  	[smem:s4], [sflag:s15] =	dma.local [hbm:s2], $0x1  }
0x93: {  	_ =	swait.eq [sflag:s15], $0x1  }
0x94: {  	[sflag:s15] =	ssyncset.done $0x0  }
0x95: {  	s16 =	sld [smem:$0x11];
	[sflag:s15] =	ssyncadd.s32 $0xFFFFFFFF  }
0x96: {  	s17 =	sld [smem:$0x13];
	(tm) =	ssettm $0x1  }
0x97: {  	s18 =	sld [smem:$0x3FFB];
	_ =	sdelay $0x3  }
0x98: {  	_ =	strace s18  }
0x99: {  	s4 =	sld [smem:$0x3FFC];
	_ =	sdelay $0x3  }
0x9a: {  	_ =	strace s4  }
0x9b: {  	s4 =	sld [smem:$0x3FFD];
	_ =	sdelay $0x3  }
0x9c: {  	_ =	strace s4  }
0x9d: {  	_ =	strace $0x8FFFFFFF  }
0x9e: {  	s19 =	sld [smem:$0x3FDB];
	_ =	sdelay $0x1  }
0x9f: {  	s5 =	simm.s32 $_scs_section_size  }
0xa0: {  	s6 =	simm.s32 $_size__tile_overlayer_lowered;
	s7 =	simm.s32 $_tile_overlayer_lowered  }
0xa1: {  	s22 =	simm.s32 $0x1BFF;
	s21 =	sshll.u32 s7, $0x1;
	s4 =	sadd.s32 s5, s19  }
0xa2: {  	s8 =	simm.s32 $0x0;
	s20 =	sshll.u32 s6, $0x1;
	s6 =	sadd.s32 s21, s4  }
0xa3: {  	[timem:s8], [sflag:s22] =	dma.local [hbm:s6], s20  }
0xa4: {  	_ =	swait.ge [sflag:s22], s20  }
0xa5: {  	s5 =	ssub.s32 $0x0, s20;
	[sflag:s22] =	ssyncset.done $0x0  }
0xa6: {  	[sflag:s22] =	ssyncadd.s32 s5;
	_ =	sdelay $0x1  }
0xa7: {  	s23 =	simm.s32 $0x1B8B  }
0xa8: {  	_ =	swait.ge [sflag:s23], $0x1  }
0xa9: {  	[sflag:s23] =	ssyncset.done $0x0  }
0xaa: {  	s25 =	simm.s32 $0x1B8E;
	s24 =	sld [smem:$0x3FFE];
	[sflag:s23] =	ssyncadd.s32 $0xFFFFFFFF  }
0xab: {  	s26 =	simm.s32 $execute0_lowered;
	[smem:$0x3FD2] =	sst s25  }
0xac: {  	s6 =	sshll.u32 s26, $0x1;
	_ =	strace $0x80000046;
	[dreg:$0x1] =	wrdreg $0xFFFFFFFF  }
0xad: {  	s28 =	simm.s32 $_size_execute0_lowered;
	s4 =	sadd.s32 s4, s6;
	[dreg:$0x0] =	wrdreg $0x0  }
0xae: {  	s6 =	sshll.u32 s28, $0x1;
	[dreg:$0x2] =	wrdreg s4  }
0xaf: {  	[dreg:$0x3] =	wrdreg s6  }
0xb0: {  	[dreg:$0x4] =	wrdreg $0xC0  }
0xb1: {  	_ =	task [dreg:s8], $0x5FFFF  }
0xb2: {  	[dreg:$0x1] =	wrdreg $0xFFFFFFFF  }
0xb3: {  	[dreg:$0x0] =	wrdreg $0x60  }
0xb4: {  	[dreg:$0x2] =	wrdreg s16  }
0xb5: {  	[dreg:$0x3] =	wrdreg s17  }
0xb6: {  	[dreg:$0x4] =	wrdreg s24  }
0xb7: {  	[dreg:$0x5] =	wrdreg $0x9  }
0xb8: {  	_ =	task.clear_ibuf [dreg:s8], $0x6FFFF;
	_ =	strace $0x90000046  }
0xb9: {  	s29 =	simm.s32 $0x9;
	_ =	strace $0x80000048  }
0xba: {  	_ =	swait.ge [sflag:s29], $0x1  }
0xbb: {  	[sflag:s29] =	ssyncadd.s32 $0xFFFFFFFF  }
0xbc: {  	_ =	strace $0x90000048  }
0xbd: {  	_ =	sfence  }
0xbe: {  	s30 =	sld [smem:$0x0];
	_ =	sdelay $0x2  }
0xbf: {  	s31 =	sshll.u32 s1, $0xD;
	s1 =	sshrl.u32 s1, $0x2  }
0xc0: {  	s3 =	sand.u32 $0x4000, s31;
	s1 =	sadd.s32 s1, s30  }
0xc1: {  	s0 =	sor.u32 s3, s0;
	s1 =	sshll.u32 s1, $0x11  }
0xc2: {  	s0 =	sor.u32 s1, s0  }
0xc3: {  	s0 =	sadd.s32 $0x8F2B, s0  }
0xc4: {  	[sflag:s0] =	ssyncadd.remote.s32 $0x1  }
0xc5: {  	_ =	sfence.sel $0xFFFF  }
0xc6: {  	[dreg:$0x0] =	wrdreg $0xFFFFFFFF;
	(pc) =	sbr.abs _section_cstart, $3  }
0xc7: {  	[dreg:$0x1] =	wrdreg $0xFFFFFFFF  }
0xc8: {  	_ =	task.clear_ibuf [dreg:s8], $0x2FFFF;
	_ =	strace $0x9FFFFFFF  }
0xc9: {  	(tm) =	ssettm $0x7FFFFFFF  }
tec
execute0_lowered:
.L_overlay_start_1:
0x0: {  	(tag) =	ssettag $0x1  }
0x1: {  	s1 =	rddreg [dreg:$0x0]  }
0x2: {  	s11 =	rddreg [dreg:$0x1]  }
0x3: {  	s4 =	rddreg [dreg:$0x2]  }
0x4: {  	s0 =	rddreg [dreg:$0x3];
	s5 =	srdreg.scid  }
0x5: {  	s3 =	simm.s32 $0x0;
	s2 =	stileid.u32;
	s15 =	simm.s32 $0x8800  }
0x6: {  	s16 =	simm.s32 $0x1;
	s17 =	simm.s32 $0x3;
	s18 =	simm.s32 $0x2  }
0x7: {  	s19 =	simm.s32 $0x4;
	s20 =	simm.s32 $0x0;
	s9 =	sand.u32 $0x1, s5  }
0x8: {  	[smem:$0x7FF] =	sst s3;
	s26 =	sshll.u32 s2, $0x10;
	s12 =	sadd.s32 $0x1A00, s4  }
0x9: {  	s13 =	sshll.u32 s2, $0x12;
	s6 =	sshll.u32 s9, $0xF;
	s7 =	ssub.s32 $0x2, s9  }
0xa: {  	_ =	strace $0x80000047;
	s10 =	sor.u32 s6, s26;
	s28 =	sshrl.u32 s7, $0x1  }
0xb: {  	s9 =	sshll.u32 s9, $0x11;
	s5 =	sshrl.u32 s10, $0x3;
	s29 =	ssub.s32 s7, s28  }
0xc: {  	s30 =	sshll.u32 s10, $0x2;
	s31 =	sor.u32 $0xC00, s10;
	s10 =	sor.u32 $0x800, s10  }
0xd: {  	s4 =	sadd.s32 s11, s5;
	s8 =	sadd.s32 s12, s30;
	s6 =	smax.u32 s29, $0x1  }
0xe: {  	s12 =	sadd.s32 s13, s12;
	s13 =	sshrl.u32 s31, $0x3;
	s14 =	sshrl.u32 s10, $0x3  }
0xf: {  	s5 =	sadd.s32 $0x80, s4;
	s7 =	sadd.s32 $0x1E000, s8;
	s8 =	sadd.s32 $0x1F000, s8  }
0x10: {  	s9 =	sadd.s32 s9, s12;
	s10 =	sadd.s32 s13, s11;
	s11 =	sadd.s32 s14, s11  }
0x11: {  	s12 =	simm.s32 $0x5;
	s13 =	simm.s32 $0x400;
	s14 =	simm.s32 $0x800  }
.LBB2_1:
0x12: {  	[tilespmem:s3], [sflag:$0x5] =	stream.linear.gather [hbm4b:s4+s3], $0x400, $0x38;
	[tilespmem:$0x10800] =	vst v63  }
0x13: {  	_ =	swait.ge [sflag:s12], $0x400  }
0x14: {  	[sflag:s12] =	ssyncset.done $0x0  }
0x15: {  	[sflag:s12] =	ssyncadd.s32 $0xFFFFFC00  }
0x16: {  	[tilespmem:s14], [sflag:$0x1] =	stream.indirect.gather [hbm4b:s1+s13], $0x20, s3, s13, $0xb8;
	[tilespmem:$0x10800] =	vst v63  }
0x17: {  	_ = 	snop  }
0x18: {  	[tilespmem:s13], [sflag:$0x5] =	stream.linear.gather [hbm4b:s5+s3], $0x400, $0x38;
	[tilespmem:$0x10800] =	vst v63  }
0x19: {  	_ =	swait.ge [sflag:s12], $0x400  }
0x1a: {  	[sflag:s12] =	ssyncset.done $0x0  }
0x1b: {  	[sflag:s12] =	ssyncadd.s32 $0xFFFFFC00  }
0x1c: {  	[tilespmem:s15], [sflag:$0x2] =	stream.indirect.gather [hbm4b:s1+s13], $0x20, s13, s13, $0xb8;
	[tilespmem:$0x10800] =	vst v63  }
0x1d: {  	_ =	swait.ge [sflag:s16], $0x8000  }
0x1e: {  	[sflag:s16] =	ssyncset.done $0x0  }
0x1f: {  	[sflag:s16] =	ssyncadd.s32 $0xFFFF8000  }
0x20: {  	[hbm4b:s9+s3] =	stream.linear.scatter [tilespmem:s14], [sflag:$0x3], $0x8000, $0x38;
	[tilespmem:$0x10800] =	vst v63  }
0x21: {  	_ =	swait.ge [sflag:s17], $0x8000  }
0x22: {  	[sflag:s17] =	ssyncset.done $0x0  }
0x23: {  	s21 =	sadd.s32 $0x0, s11;
	[sflag:s17] =	ssyncadd.s32 $0xFFFF8000  }
0x24: {  	[tilespmem:s3], [sflag:$0x5] =	stream.linear.gather [hbm4b:s21+s3], $0x400, $0x38;
	[tilespmem:$0x10800] =	vst v63  }
0x25: {  	_ =	swait.ge [sflag:s12], $0x400  }
0x26: {  	[sflag:s12] =	ssyncset.done $0x0  }
0x27: {  	[sflag:s12] =	ssyncadd.s32 $0xFFFFFC00  }
0x28: {  	[tilespmem:s14], [sflag:$0x1] =	stream.indirect.gather [hbm4b:s1+s13], $0x20, s3, s13, $0xb8;
	[tilespmem:$0x10800] =	vst v63  }
0x29: {  	_ =	swait.ge [sflag:s18], $0x8000  }
0x2a: {  	[sflag:s18] =	ssyncset.done $0x0  }
0x2b: {  	s30 =	sadd.s32 $0x1000, s9;
	[sflag:s18] =	ssyncadd.s32 $0xFFFF8000  }
0x2c: {  	[hbm4b:s30+s3] =	stream.linear.scatter [tilespmem:s15], [sflag:$0x4], $0x8000, $0x38;
	[tilespmem:$0x10800] =	vst v63  }
0x2d: {  	_ =	swait.ge [sflag:s19], $0x8000  }
0x2e: {  	[sflag:s19] =	ssyncset.done $0x0  }
0x2f: {  	s31 =	sadd.s32 $0x0, s10;
	[sflag:s19] =	ssyncadd.s32 $0xFFFF8000  }
0x30: {  	[tilespmem:s13], [sflag:$0x5] =	stream.linear.gather [hbm4b:s31+s3], $0x400, $0x38;
	[tilespmem:$0x10800] =	vst v63  }
0x31: {  	_ =	swait.ge [sflag:s12], $0x400  }
0x32: {  	[sflag:s12] =	ssyncset.done $0x0  }
0x33: {  	s22 =	sadd.s32 $0x2000, s9;
	s21 =	simm.s32 $0x100;
	[sflag:s12] =	ssyncadd.s32 $0xFFFFFC00  }
.LBB2_2:
0x34: {  	[tilespmem:s15], [sflag:$0x2] =	stream.indirect.gather [hbm4b:s1+s13], $0x20, s13, s13, $0xb8;
	[tilespmem:$0x10800] =	vst v63  }
0x35: {  	s23 =	smov.u32 s21  }
0x36: {  	p0 =	sne.s32 s21, $0xE00;
	s21 =	sadd.s32 $0x100, s21;
	_ =	swait.ge [sflag:s16], $0x8000  }
0x37: {  	[sflag:s16] =	ssyncset.done $0x0  }
0x38: {  	[sflag:s16] =	ssyncadd.s32 $0xFFFF8000  }
0x39: {  	[hbm4b:s22+s3] =	stream.linear.scatter [tilespmem:s14], [sflag:$0x3], $0x8000, $0x38;
	[tilespmem:$0x10800] =	vst v63  }
0x3a: {  	_ =	swait.ge [sflag:s17], $0x8000  }
0x3b: {  	[sflag:s17] =	ssyncset.done $0x0  }
0x3c: {  	s24 =	sadd.s32 s23, s11;
	[sflag:s17] =	ssyncadd.s32 $0xFFFF8000  }
0x3d: {  	[tilespmem:s3], [sflag:$0x5] =	stream.linear.gather [hbm4b:s24+s3], $0x400, $0x38;
	[tilespmem:$0x10800] =	vst v63  }
0x3e: {  	_ =	swait.ge [sflag:s12], $0x400  }
0x3f: {  	[sflag:s12] =	ssyncset.done $0x0  }
0x40: {  	[sflag:s12] =	ssyncadd.s32 $0xFFFFFC00  }
0x41: {  	[tilespmem:s14], [sflag:$0x1] =	stream.indirect.gather [hbm4b:s1+s13], $0x20, s3, s13, $0xb8;
	[tilespmem:$0x10800] =	vst v63  }
0x42: {  	_ =	swait.ge [sflag:s18], $0x8000  }
0x43: {  	[sflag:s18] =	ssyncset.done $0x0  }
0x44: {  	s24 =	sadd.s32 $0x1000, s22;
	[sflag:s18] =	ssyncadd.s32 $0xFFFF8000  }
0x45: {  	[hbm4b:s24+s3] =	stream.linear.scatter [tilespmem:s15], [sflag:$0x4], $0x8000, $0x38;
	[tilespmem:$0x10800] =	vst v63  }
0x46: {  	_ =	swait.ge [sflag:s19], $0x8000  }
0x47: {  	[sflag:s19] =	ssyncset.done $0x0  }
.Ltmp0:
0x48: {  	s23 =	sadd.s32 s23, s10;
	[sflag:s19] =	ssyncadd.s32 $0xFFFF8000;
	(pc) =	sbr.rel @p0 .LBB2_2-.Ltmp0, $4  }
0x49: {  	[tilespmem:s13], [sflag:$0x5] =	stream.linear.gather [hbm4b:s23+s3], $0x400, $0x38;
	[tilespmem:$0x10800] =	vst v63  }
0x4a: {  	_ =	swait.ge [sflag:s12], $0x400  }
0x4b: {  	[sflag:s12] =	ssyncset.done $0x0  }
0x4c: {  	s22 =	sadd.s32 $0x2000, s22;
	[sflag:s12] =	ssyncadd.s32 $0xFFFFFC00  }
0x4d: {  	[tilespmem:s15], [sflag:$0x2] =	stream.indirect.gather [hbm4b:s1+s13], $0x20, s13, s13, $0xb8;
	[tilespmem:$0x10800] =	vst v63  }
0x4e: {  	_ =	swait.ge [sflag:s16], $0x8000  }
0x4f: {  	[sflag:s16] =	ssyncset.done $0x0  }
0x50: {  	[sflag:s16] =	ssyncadd.s32 $0xFFFF8000  }
0x51: {  	[hbm4b:s7+s3] =	stream.linear.scatter [tilespmem:s14], [sflag:$0x3], $0x8000, $0x38;
	[tilespmem:$0x10800] =	vst v63  }
0x52: {  	_ =	swait.ge [sflag:s17], $0x8000  }
0x53: {  	[sflag:s17] =	ssyncset.done $0x0  }
0x54: {  	[sflag:s17] =	ssyncadd.s32 $0xFFFF8000  }
0x55: {  	s20 =	sadd.s32 $0x1, s20;
	_ =	swait.ge [sflag:s18], $0x8000  }
0x56: {  	p0 =	sne.s32 s20, s6;
	[sflag:s18] =	ssyncset.done $0x0  }
.Ltmp1:
0x57: {  	[sflag:s18] =	ssyncadd.s32 $0xFFFF8000;
	(pc) =	sbr.rel @p0 .LBB2_1-.Ltmp1, $4  }
0x58: {  	[hbm4b:s8+s3] =	stream.linear.scatter [tilespmem:s15], [sflag:$0x4], $0x8000, $0x38;
	[tilespmem:$0x10800] =	vst v63  }
0x59: {  	_ =	swait.ge [sflag:s19], $0x8000  }
0x5a: {  	[sflag:s19] =	ssyncset.done $0x0  }
0x5b: {  	[sflag:s19] =	ssyncadd.s32 $0xFFFF8000  }
0x5c: {  	_ =	sfence.sel $0x180000  }
0x5d: {  	[bflag:$0x0] =	sbarrier.arrive $0xFFFF  }
0x5e: {  	p0 =	sne.s32 s2, $0x0;
	_ =	strace $0x90000047  }
0x5f: {  	s0 =	sadd.s32 @!p0 $0x100000, s0;
	[bflag:$0x2] =	sbarrier.arrive $0xFFFF  }
0x60: {  	[sflag:s0] =	ssyncadd.tile.s32 @!p0 $0x1;
	_ =	shalt  }
.Lfunc_end2:
_tile_overlayer_lowered:
.L_overlay_start_2:
0x61: {  	(tag) =	ssettag $0x2  }
0x62: {  	s0 =	rddreg [dreg:$0x0];
	s2 =	stileid.u32  }
0x63: {  	s1 =	rddreg [dreg:$0x1];
	p0 =	sne.s32 s2, $0x0  }
0x64: {  	s3 =	rddreg [dreg:$0x2];
	[bflag:$0x3] =	sbarrier.arrive $0xFFFF;
	s2 =	simm.s32 @!p0 $0x1C05  }
0x65: {  	[timem:s3], [sflag:s2] =	dma.local @!p0 [hbm:s0], s1  }
0x66: {  	s0 =	simm.s32 @!p0 $0x5  }
0x67: {  	_ =	swait.ge @!p0 [sflag:s0], s1  }
0x68: {  	s1 =	ssub.s32 @!p0 $0x0, s1;
	[sflag:s0] =	ssyncset.done @!p0 $0x0  }
0x69: {  	[sflag:s0] =	ssyncadd.s32 @!p0 s1  }
0x6a: {  	[bflag:$0x3] =	sbarrier.arrive $0xFFFF  }
0x6b: {  	_ =	shalt  }

</sc_bundles>
